<compile_context>
chip_gen: v7x
topology: tpu7x:2x2x1
jax: 0.10.2.dev20260603
libtpu: 0.0.44.dev20260713+nightly
codegen_flags: <defaults>
</compile_context>

<pallas_src>
import functools

import jax
import jax.numpy as jnp
from jax import lax
from jax.experimental import pallas as pl
from jax.experimental.pallas import tpu as pltpu
from jax.experimental.pallas import tpu_sc as plsc

_BETA = 0.25


def _csq_body(cbtr_ref, cbre_ref, otr_ref, ore_ref, *, k):
    cbtr = cbtr_ref[...]
    otr_ref[...] = jnp.sum(cbtr * cbtr, axis=1).reshape(1, k)
    cbre = cbre_ref[...]
    ore_ref[...] = jnp.sum(cbre * cbre, axis=1).reshape(1, k)


def _vq_body(h_ref, cb_ref, csq_ref, q_ref, idx_ref, *, rb, k):
    h = h_ref[...]
    cb = cb_ref[...]
    h_sq = jnp.sum(h * h, axis=1, keepdims=True)
    c_sq = csq_ref[...]
    mm = jax.lax.dot_general(h, cb, (((1,), (1,)), ((), ())),
                             preferred_element_type=jnp.float32)
    dist = h_sq + c_sq - 2.0 * mm
    idx = jnp.argmin(dist, axis=1)
    iota = jax.lax.broadcasted_iota(jnp.int32, (rb, k), 1)
    q_ref[...] = (iota == idx[:, None]).astype(jnp.float32)
    idx_ref[...] = idx[:, None]


def _dual_body(htr_ref, hre_ref, cbtr_ref, cbre_ref, csqtr_ref, csqre_ref,
               qtr_ref, itr_ref, qre_ref, ire_ref, *, rb, k):
    _vq_body(htr_ref, cbtr_ref, csqtr_ref, qtr_ref, itr_ref, rb=rb, k=k)
    _vq_body(hre_ref, cbre_ref, csqre_ref, qre_ref, ire_ref, rb=rb, k=k)


def _sc_gather(cb_tr, idx_tr, cb_re, idx_re):
    info = plsc.get_sparse_core_info()
    nc, ns, l = info.num_cores, info.num_subcores, info.num_lanes
    nw = nc * ns
    b = idx_tr.shape[0]
    dp = cb_tr.shape[1]
    bw = b // nw
    f32 = jnp.float32
    mesh = plsc.VectorSubcoreMesh(core_axis_name="c", subcore_axis_name="s")

    @functools.partial(
        pl.kernel, mesh=mesh,
        out_type=(jax.ShapeDtypeStruct((b, dp), f32),
                  jax.ShapeDtypeStruct((b, dp), f32)),
        scratch_types=[
            pltpu.VMEM((bw,), jnp.int32),
            pltpu.VMEM((bw, dp), f32),
            pltpu.VMEM((bw,), jnp.int32),
            pltpu.VMEM((bw, dp), f32),
            pltpu.SemaphoreType.DMA,
            pltpu.SemaphoreType.DMA,
        ],
    )
    def k(cbtr_hbm, itr_hbm, cbre_hbm, ire_hbm,
          gtr_hbm, gre_hbm,
          itr_v, rtr_v, ire_v, rre_v, sem1, sem2):
        wid = lax.axis_index("s") * nc + lax.axis_index("c")
        base = wid * bw
        pltpu.sync_copy(itr_hbm.at[pl.ds(base, bw)], itr_v)
        cp1 = pltpu.async_copy(cbtr_hbm.at[itr_v], rtr_v, sem1)
        pltpu.sync_copy(ire_hbm.at[pl.ds(base, bw)], ire_v)
        cp2 = pltpu.async_copy(cbre_hbm.at[ire_v], rre_v, sem2)
        cp1.wait()
        pltpu.sync_copy(rtr_v, gtr_hbm.at[pl.ds(base, bw)])
        cp2.wait()
        pltpu.sync_copy(rre_v, gre_hbm.at[pl.ds(base, bw)])

    return k(cb_tr, idx_tr, cb_re, idx_re)


def _loss_body(htr_ref, gtr_ref, hre_ref, gre_ref, str_ref, sre_ref):
    dtr = htr_ref[...] - gtr_ref[...]
    str_ref[...] = jnp.sum(dtr * dtr).reshape(1, 1)
    dre = hre_ref[...] - gre_ref[...]
    sre_ref[...] = jnp.sum(dre * dre).reshape(1, 1)


def kernel(h_tr, h_re, codebook_tr, codebook_re):
    b, d = h_tr.shape
    k = codebook_tr.shape[0]
    rb = min(256, b)
    nb = b // rb

    body = functools.partial(_dual_body, rb=rb, k=k)

    f32 = jnp.float32
    csq_tr, csq_re = pl.pallas_call(
        functools.partial(_csq_body, k=k),
        out_shape=(jax.ShapeDtypeStruct((1, k), f32),
                   jax.ShapeDtypeStruct((1, k), f32)),
    )(codebook_tr, codebook_re)

    row_spec = pl.BlockSpec((rb, d), lambda i: (i, 0))
    cb_spec = pl.BlockSpec((k, d), lambda i: (0, 0))
    q_spec = pl.BlockSpec((rb, k), lambda i: (i, 0))
    idx_spec = pl.BlockSpec((rb, 1), lambda i: (i, 0))
    csq_spec = pl.BlockSpec((1, k), lambda i: (0, 0))

    out_shapes = (
        jax.ShapeDtypeStruct((b, k), f32),
        jax.ShapeDtypeStruct((b, 1), jnp.int32),
        jax.ShapeDtypeStruct((b, k), f32),
        jax.ShapeDtypeStruct((b, 1), jnp.int32),
    )
    out_specs = (q_spec, idx_spec, q_spec, idx_spec)

    (q_tr, i_tr, q_re, i_re) = pl.pallas_call(
        body,
        grid=(nb,),
        in_specs=[row_spec, row_spec, cb_spec, cb_spec, csq_spec, csq_spec],
        out_specs=out_specs,
        out_shape=out_shapes,
        compiler_params=pltpu.CompilerParams(
            dimension_semantics=("arbitrary",),
            vmem_limit_bytes=100 * 1024 * 1024),
    )(h_tr, h_re, codebook_tr, codebook_re, csq_tr, csq_re)

    idx_tr = i_tr.reshape(b)
    idx_re = i_re.reshape(b)

    cb_tr_pad = jnp.pad(codebook_tr, ((0, 0), (0, 128 - d)))
    cb_re_pad = jnp.pad(codebook_re, ((0, 0), (0, 128 - d)))
    g_tr_pad, g_re_pad = _sc_gather(cb_tr_pad, idx_tr, cb_re_pad, idx_re)
    g_tr = g_tr_pad[:, :d]
    g_re = g_re_pad[:, :d]

    ss_tr, ss_re = pl.pallas_call(
        _loss_body,
        out_shape=(jax.ShapeDtypeStruct((1, 1), f32),
                   jax.ShapeDtypeStruct((1, 1), f32)),
    )(h_tr, g_tr, h_re, g_re)

    n = jnp.float32(b * d)
    total_loss = (1.0 + _BETA) * (ss_tr[0, 0] / n) + \
                 (1.0 + _BETA) * (ss_re[0, 0] / n)
    return (q_tr, g_tr, g_tr, g_tr, idx_tr,
            q_re, g_re, g_re, g_re, idx_re,
            total_loss)

# --- scband reference (transcript-rebuilt; emitter-appended) ---
"""Pipeline reference for scband-dual-vqquantizer-53266184405017 (READ-ONLY COPY).

The authoritative reference and input builder live on the scoring server;
editing this copy changes nothing except your own understanding.
"""

import jax, jax.numpy as jnp
import numpy as np

NUM_CODES_TR = 8192
NUM_CODES_RE = 8192
CODE_DIM_TR = 32
CODE_DIM_RE = 32
BETA_TR = 0.25
BETA_RE = 0.25
B = 4096


def setup_inputs(seed: int = 0) -> dict:
    key = jax.random.key(seed)
    k1, k2, k3, k4 = jax.random.split(key, 4)
    h_tr = jax.random.normal(k1, (B, CODE_DIM_TR), dtype=jnp.float32)
    h_re = jax.random.normal(k2, (B, CODE_DIM_RE), dtype=jnp.float32)
    # kaiming_uniform_(a=sqrt(5)) on [K, D] -> bound = 1/sqrt(D)
    bound_tr = 1.0 / np.sqrt(CODE_DIM_TR)
    bound_re = 1.0 / np.sqrt(CODE_DIM_RE)
    codebook_tr = jax.random.uniform(k3, (NUM_CODES_TR, CODE_DIM_TR), dtype=jnp.float32, minval=-bound_tr, maxval=bound_tr)
    codebook_re = jax.random.uniform(k4, (NUM_CODES_RE, CODE_DIM_RE), dtype=jnp.float32, minval=-bound_re, maxval=bound_re)
    return {"h_tr": h_tr, "h_re": h_re, "codebook_tr": codebook_tr, "codebook_re": codebook_re}


def _vq_branch(h_flat, codebook, beta):
    # use_cdist=False, normalize=False, training=False (eval path)
    h_sq = jnp.sum(h_flat ** 2, axis=1, keepdims=True)
    codebook_sq = jnp.sum(codebook ** 2, axis=1).reshape(1, -1)
    distances = h_sq + codebook_sq - 2.0 * jnp.matmul(h_flat, codebook.T)
    indices_flat = jnp.argmin(distances, axis=1)
    # q_flat = zeros_like(distances).scatter_(1, indices, 1.0) -> one-hot
    q_flat = jnp.zeros_like(distances).at[jnp.arange(h_flat.shape[0]), indices_flat].set(1.0)
    c_tilde_flat = jnp.einsum('bk,kd->bd', q_flat, codebook)
    c_hard_flat = jnp.take(codebook, indices_flat, axis=0)
    diff = h_flat - c_tilde_flat
    codebook_loss = jnp.mean(jax.lax.stop_gradient(diff) ** 2)
    commitment_loss = jnp.mean(diff ** 2)
    c_quantized = c_tilde_flat + (c_hard_flat - jax.lax.stop_gradient(c_tilde_flat))
    loss = codebook_loss + beta * commitment_loss
    return q_flat, c_tilde_flat, c_hard_flat, c_quantized, loss, indices_flat


def reference(h_tr, h_re, codebook_tr, codebook_re):
    q_tr, soft_tr, hard_tr, quantized_tr, loss_tr, indices_tr = _vq_branch(h_tr, codebook_tr, BETA_TR)
    q_re, soft_re, hard_re, quantized_re, loss_re, indices_re = _vq_branch(h_re, codebook_re, BETA_RE)
    total_loss = loss_tr + loss_re
    return (q_tr, soft_tr, hard_tr, quantized_tr, indices_tr,
            q_re, soft_re, hard_re, quantized_re, indices_re,
            total_loss)

if __name__ == "__main__":
    import jax
    _d = setup_inputs()
    print(jax.jit(kernel)(*tuple(_d.values())))

</pallas_src>

<mosaic_0001>
#map = affine_map<(d0, d1) -> (0, 0)>
#map1 = affine_map<(d0, d1) -> (0)>
module attributes {stable_mosaic.version = 14 : i64} {
  func.func @k(%arg0: i32, %arg1: i32, %arg2: memref<8192x128xf32, #tpu.memory_space<hbm>>, %arg3: memref<4096xi32, #tpu.memory_space<hbm>>, %arg4: memref<8192x128xf32, #tpu.memory_space<hbm>>, %arg5: memref<4096xi32, #tpu.memory_space<hbm>>, %arg6: memref<4096x128xf32, #tpu.memory_space<hbm>>, %arg7: memref<4096x128xf32, #tpu.memory_space<hbm>>, %arg8: memref<128xi32, #tpu.memory_space<vmem>>, %arg9: memref<128x128xf32, #tpu.memory_space<vmem>>, %arg10: memref<128xi32, #tpu.memory_space<vmem>>, %arg11: memref<128x128xf32, #tpu.memory_space<vmem>>, %arg12: memref<!tpu.dma_semaphore, #tpu.memory_space<semaphore_mem>>, %arg13: memref<!tpu.dma_semaphore, #tpu.memory_space<semaphore_mem>>) attributes {dimension_semantics = [#tpu.dimension_semantics<core_parallel>, #tpu.dimension_semantics<subcore_parallel>], iteration_bounds = array<i64: 2, 16>, scalar_prefetch = 0 : i64, scratch_operands = 6 : i64, tpu.core_type = #tpu.core_type<sc_vector_subcore>, window_params = [{transform_indices = #map}, {transform_indices = #map1}, {transform_indices = #map}, {transform_indices = #map1}, {transform_indices = #map}, {transform_indices = #map}]} {
    %mul3A = arith.constant 2 : i32
    %mul3A_0 = arith.muli %arg1, %mul3A : i32
    %add3A = arith.addi %mul3A_0, %arg0 : i32
    %mul3A_1 = arith.constant 128 : i32
    %mul3A_2 = arith.muli %add3A, %mul3A_1 : i32
    "tpu.region"() ({
      %run_scoped3A = tpu.sem_alloc : memref<!tpu.dma_semaphore, #tpu.memory_space<semaphore_mem>>
      %dma_start3A_13 = tpu.memref_slice %arg3[%mul3A_2] : memref<4096xi32, #tpu.memory_space<hbm>> -> memref<128xi32, #tpu.memory_space<hbm>>
      %dma_start3A_14 = tpu.memref_slice %arg3[%mul3A_2] : memref<4096xi32, #tpu.memory_space<hbm>> -> memref<128xi32, #tpu.memory_space<hbm>>
      tpu.enqueue_dma source(%dma_start3A_14 : memref<128xi32, #tpu.memory_space<hbm>>) target(%arg8 : memref<128xi32, #tpu.memory_space<vmem>>) target_semaphore(%run_scoped3A : memref<!tpu.dma_semaphore, #tpu.memory_space<semaphore_mem>>)
      %dma_wait3A_15 = tpu.memref_slice %arg3[%mul3A_2] : memref<4096xi32, #tpu.memory_space<hbm>> -> memref<128xi32, #tpu.memory_space<hbm>>
      %dma_wait3A_16 = tpu.memref_slice %arg3[%mul3A_2] : memref<4096xi32, #tpu.memory_space<hbm>> -> memref<128xi32, #tpu.memory_space<hbm>>
      tpu.wait_dma2 semaphore(%run_scoped3A : memref<!tpu.dma_semaphore, #tpu.memory_space<semaphore_mem>>) src(%dma_wait3A_16 : memref<128xi32, #tpu.memory_space<hbm>>) dst(%arg8 : memref<128xi32, #tpu.memory_space<vmem>>)
      tpu.yield
    }) : () -> ()
    %dma_start3A = arith.constant 0 : i32
    %dma_start3A_3 = arith.constant 0 : i32
    %dma_start3A_4 = tpu.memref_slice %arg2[%dma_start3A, %dma_start3A_3] : memref<8192x128xf32, #tpu.memory_space<hbm>> -> memref<8192x128xf32, #tpu.memory_space<hbm>>
    tpu.enqueue_indirect_dma source(%dma_start3A_4 : memref<8192x128xf32, #tpu.memory_space<hbm>>) target(%arg9 : memref<128x128xf32, #tpu.memory_space<vmem>>) offsets(%arg8 : memref<128xi32, #tpu.memory_space<vmem>>) semaphore(%arg12 : memref<!tpu.dma_semaphore, #tpu.memory_space<semaphore_mem>>)
    "tpu.region"() ({
      %run_scoped3A = tpu.sem_alloc : memref<!tpu.dma_semaphore, #tpu.memory_space<semaphore_mem>>
      %dma_start3A_13 = tpu.memref_slice %arg5[%mul3A_2] : memref<4096xi32, #tpu.memory_space<hbm>> -> memref<128xi32, #tpu.memory_space<hbm>>
      %dma_start3A_14 = tpu.memref_slice %arg5[%mul3A_2] : memref<4096xi32, #tpu.memory_space<hbm>> -> memref<128xi32, #tpu.memory_space<hbm>>
      tpu.enqueue_dma source(%dma_start3A_14 : memref<128xi32, #tpu.memory_space<hbm>>) target(%arg10 : memref<128xi32, #tpu.memory_space<vmem>>) target_semaphore(%run_scoped3A : memref<!tpu.dma_semaphore, #tpu.memory_space<semaphore_mem>>)
      %dma_wait3A_15 = tpu.memref_slice %arg5[%mul3A_2] : memref<4096xi32, #tpu.memory_space<hbm>> -> memref<128xi32, #tpu.memory_space<hbm>>
      %dma_wait3A_16 = tpu.memref_slice %arg5[%mul3A_2] : memref<4096xi32, #tpu.memory_space<hbm>> -> memref<128xi32, #tpu.memory_space<hbm>>
      tpu.wait_dma2 semaphore(%run_scoped3A : memref<!tpu.dma_semaphore, #tpu.memory_space<semaphore_mem>>) src(%dma_wait3A_16 : memref<128xi32, #tpu.memory_space<hbm>>) dst(%arg10 : memref<128xi32, #tpu.memory_space<vmem>>)
      tpu.yield
    }) : () -> ()
    %dma_start3A_5 = arith.constant 0 : i32
    %dma_start3A_6 = arith.constant 0 : i32
    %dma_start3A_7 = tpu.memref_slice %arg4[%dma_start3A_5, %dma_start3A_6] : memref<8192x128xf32, #tpu.memory_space<hbm>> -> memref<8192x128xf32, #tpu.memory_space<hbm>>
    tpu.enqueue_indirect_dma source(%dma_start3A_7 : memref<8192x128xf32, #tpu.memory_space<hbm>>) target(%arg11 : memref<128x128xf32, #tpu.memory_space<vmem>>) offsets(%arg10 : memref<128xi32, #tpu.memory_space<vmem>>) semaphore(%arg13 : memref<!tpu.dma_semaphore, #tpu.memory_space<semaphore_mem>>)
    %dma_wait3A = arith.constant 0 : i32
    %dma_wait3A_8 = arith.constant 0 : i32
    %dma_wait3A_9 = tpu.memref_slice %arg2[%dma_wait3A, %dma_wait3A_8] : memref<8192x128xf32, #tpu.memory_space<hbm>> -> memref<8192x128xf32, #tpu.memory_space<hbm>>
    tpu.wait_indirect_dma semaphore(%arg12 : memref<!tpu.dma_semaphore, #tpu.memory_space<semaphore_mem>>) src(%dma_wait3A_9 : memref<8192x128xf32, #tpu.memory_space<hbm>>) dst(%arg9 : memref<128x128xf32, #tpu.memory_space<vmem>>)
    "tpu.region"() ({
      %run_scoped3A = tpu.sem_alloc : memref<!tpu.dma_semaphore, #tpu.memory_space<semaphore_mem>>
      %dma_start3A_13 = arith.constant 0 : i32
      %dma_start3A_14 = tpu.memref_slice %arg6[%mul3A_2, %dma_start3A_13] : memref<4096x128xf32, #tpu.memory_space<hbm>> -> memref<128x128xf32, #tpu.memory_space<hbm>>
      %dma_start3A_15 = arith.constant 0 : i32
      %dma_start3A_16 = tpu.memref_slice %arg6[%mul3A_2, %dma_start3A_15] : memref<4096x128xf32, #tpu.memory_space<hbm>> -> memref<128x128xf32, #tpu.memory_space<hbm>>
      tpu.enqueue_dma source(%arg9 : memref<128x128xf32, #tpu.memory_space<vmem>>) target(%dma_start3A_16 : memref<128x128xf32, #tpu.memory_space<hbm>>) target_semaphore(%run_scoped3A : memref<!tpu.dma_semaphore, #tpu.memory_space<semaphore_mem>>)
      %dma_wait3A_17 = arith.constant 0 : i32
      %dma_wait3A_18 = tpu.memref_slice %arg6[%mul3A_2, %dma_wait3A_17] : memref<4096x128xf32, #tpu.memory_space<hbm>> -> memref<128x128xf32, #tpu.memory_space<hbm>>
      %dma_wait3A_19 = arith.constant 0 : i32
      %dma_wait3A_20 = tpu.memref_slice %arg6[%mul3A_2, %dma_wait3A_19] : memref<4096x128xf32, #tpu.memory_space<hbm>> -> memref<128x128xf32, #tpu.memory_space<hbm>>
      tpu.wait_dma2 semaphore(%run_scoped3A : memref<!tpu.dma_semaphore, #tpu.memory_space<semaphore_mem>>) src(%arg9 : memref<128x128xf32, #tpu.memory_space<vmem>>) dst(%dma_wait3A_20 : memref<128x128xf32, #tpu.memory_space<hbm>>)
      tpu.yield
    }) : () -> ()
    %dma_wait3A_10 = arith.constant 0 : i32
    %dma_wait3A_11 = arith.constant 0 : i32
    %dma_wait3A_12 = tpu.memref_slice %arg4[%dma_wait3A_10, %dma_wait3A_11] : memref<8192x128xf32, #tpu.memory_space<hbm>> -> memref<8192x128xf32, #tpu.memory_space<hbm>>
    tpu.wait_indirect_dma semaphore(%arg13 : memref<!tpu.dma_semaphore, #tpu.memory_space<semaphore_mem>>) src(%dma_wait3A_12 : memref<8192x128xf32, #tpu.memory_space<hbm>>) dst(%arg11 : memref<128x128xf32, #tpu.memory_space<vmem>>)
    "tpu.region"() ({
      %run_scoped3A = tpu.sem_alloc : memref<!tpu.dma_semaphore, #tpu.memory_space<semaphore_mem>>
      %dma_start3A_13 = arith.constant 0 : i32
      %dma_start3A_14 = tpu.memref_slice %arg7[%mul3A_2, %dma_start3A_13] : memref<4096x128xf32, #tpu.memory_space<hbm>> -> memref<128x128xf32, #tpu.memory_space<hbm>>
      %dma_start3A_15 = arith.constant 0 : i32
      %dma_start3A_16 = tpu.memref_slice %arg7[%mul3A_2, %dma_start3A_15] : memref<4096x128xf32, #tpu.memory_space<hbm>> -> memref<128x128xf32, #tpu.memory_space<hbm>>
      tpu.enqueue_dma source(%arg11 : memref<128x128xf32, #tpu.memory_space<vmem>>) target(%dma_start3A_16 : memref<128x128xf32, #tpu.memory_space<hbm>>) target_semaphore(%run_scoped3A : memref<!tpu.dma_semaphore, #tpu.memory_space<semaphore_mem>>)
      %dma_wait3A_17 = arith.constant 0 : i32
      %dma_wait3A_18 = tpu.memref_slice %arg7[%mul3A_2, %dma_wait3A_17] : memref<4096x128xf32, #tpu.memory_space<hbm>> -> memref<128x128xf32, #tpu.memory_space<hbm>>
      %dma_wait3A_19 = arith.constant 0 : i32
      %dma_wait3A_20 = tpu.memref_slice %arg7[%mul3A_2, %dma_wait3A_19] : memref<4096x128xf32, #tpu.memory_space<hbm>> -> memref<128x128xf32, #tpu.memory_space<hbm>>
      tpu.wait_dma2 semaphore(%run_scoped3A : memref<!tpu.dma_semaphore, #tpu.memory_space<semaphore_mem>>) src(%arg11 : memref<128x128xf32, #tpu.memory_space<vmem>>) dst(%dma_wait3A_20 : memref<128x128xf32, #tpu.memory_space<hbm>>)
      tpu.yield
    }) : () -> ()
    return
  }
}

module attributes {stable_mosaic.version = 14 : i64} {
  func.func @_csq_body(%arg0: memref<8192x32xf32, #tpu.memory_space<vmem>>, %arg1: memref<8192x32xf32, #tpu.memory_space<vmem>>, %arg2: memref<1x8192xf32, #tpu.memory_space<vmem>>, %arg3: memref<1x8192xf32, #tpu.memory_space<vmem>>) attributes {dimension_semantics = [], scalar_prefetch = 0 : i64, scratch_operands = 0 : i64, tpu.core_type = #tpu.core_type<tc>} {
    %get3A = arith.constant 0 : index
    %get3A_0 = arith.constant 0 : index
    %get3A_1 = vector.load %arg0[%get3A, %get3A_0] : memref<8192x32xf32, #tpu.memory_space<vmem>>, vector<8192x32xf32>
    %mul3A = arith.mulf %get3A_1, %get3A_1 : vector<8192x32xf32>
    %reduce_sum3A = arith.constant dense<0.000000e+00> : vector<8192xf32>
    %reduce_sum3A_2 = vector.multi_reduction <add>, %mul3A, %reduce_sum3A [1] : vector<8192x32xf32> to vector<8192xf32>
    %reshape3A = vector.shape_cast %reduce_sum3A_2 : vector<8192xf32> to vector<1x8192xf32>
    %swap3A = arith.constant 0 : index
    %swap3A_3 = arith.constant 0 : index
    %swap3A_4 = vector.load %arg2[%swap3A, %swap3A_3] : memref<1x8192xf32, #tpu.memory_space<vmem>>, vector<1x8192xf32>
    tpu.vector_store %arg2[%swap3A, %swap3A_3], %reshape3A {strides = array<i32>} : memref<1x8192xf32, #tpu.memory_space<vmem>>, vector<1x8192xf32>,
    %get3A_5 = arith.constant 0 : index
    %get3A_6 = arith.constant 0 : index
    %get3A_7 = vector.load %arg1[%get3A_5, %get3A_6] : memref<8192x32xf32, #tpu.memory_space<vmem>>, vector<8192x32xf32>
    %mul3A_8 = arith.mulf %get3A_7, %get3A_7 : vector<8192x32xf32>
    %reduce_sum3A_9 = arith.constant dense<0.000000e+00> : vector<8192xf32>
    %reduce_sum3A_10 = vector.multi_reduction <add>, %mul3A_8, %reduce_sum3A_9 [1] : vector<8192x32xf32> to vector<8192xf32>
    %reshape3A_11 = vector.shape_cast %reduce_sum3A_10 : vector<8192xf32> to vector<1x8192xf32>
    %swap3A_12 = arith.constant 0 : index
    %swap3A_13 = arith.constant 0 : index
    %swap3A_14 = vector.load %arg3[%swap3A_12, %swap3A_13] : memref<1x8192xf32, #tpu.memory_space<vmem>>, vector<1x8192xf32>
    tpu.vector_store %arg3[%swap3A_12, %swap3A_13], %reshape3A_11 {strides = array<i32>} : memref<1x8192xf32, #tpu.memory_space<vmem>>, vector<1x8192xf32>,
    return
  }
}

module attributes {stable_mosaic.version = 14 : i64} {
  func.func @_dual_body(%arg0: i32, %arg1: memref<256x32xf32, #tpu.memory_space<vmem>>, %arg2: memref<256x32xf32, #tpu.memory_space<vmem>>, %arg3: memref<8192x32xf32, #tpu.memory_space<vmem>>, %arg4: memref<8192x32xf32, #tpu.memory_space<vmem>>, %arg5: memref<1x8192xf32, #tpu.memory_space<vmem>>, %arg6: memref<1x8192xf32, #tpu.memory_space<vmem>>, %arg7: memref<256x8192xf32, #tpu.memory_space<vmem>>, %arg8: memref<256x1xi32, #tpu.memory_space<vmem>>, %arg9: memref<256x8192xf32, #tpu.memory_space<vmem>>, %arg10: memref<256x1xi32, #tpu.memory_space<vmem>>) attributes {dimension_semantics = [#tpu.dimension_semantics<arbitrary>], iteration_bounds = array<i64: 16>, scalar_prefetch = 0 : i64, scratch_operands = 0 : i64, tpu.core_type = #tpu.core_type<tc>, window_params = [{transform_indices = @transform_0, window_bounds = array<i64: 256, 32>}, {transform_indices = @transform_1, window_bounds = array<i64: 256, 32>}, {pipeline_mode = #tpu.pipeline_mode<synchronous>, transform_indices = @transform_2, window_bounds = array<i64: 8192, 32>}, {pipeline_mode = #tpu.pipeline_mode<synchronous>, transform_indices = @transform_3, window_bounds = array<i64: 8192, 32>}, {pipeline_mode = #tpu.pipeline_mode<synchronous>, transform_indices = @transform_4, window_bounds = array<i64: 1, 8192>}, {pipeline_mode = #tpu.pipeline_mode<synchronous>, transform_indices = @transform_5, window_bounds = array<i64: 1, 8192>}, {transform_indices = @transform_6, window_bounds = array<i64: 256, 8192>}, {transform_indices = @transform_7, window_bounds = array<i64: 256, 1>}, {transform_indices = @transform_8, window_bounds = array<i64: 256, 8192>}, {transform_indices = @transform_9, window_bounds = array<i64: 256, 1>}]} {
    %get3A = arith.constant 0 : index
    %get3A_0 = arith.constant 0 : index
    %get3A_1 = vector.load %arg1[%get3A, %get3A_0] : memref<256x32xf32, #tpu.memory_space<vmem>>, vector<256x32xf32>
    %get3A_2 = arith.constant 0 : index
    %get3A_3 = arith.constant 0 : index
    %get3A_4 = vector.load %arg3[%get3A_2, %get3A_3] : memref<8192x32xf32, #tpu.memory_space<vmem>>, vector<8192x32xf32>
    %mul3A = arith.mulf %get3A_1, %get3A_1 : vector<256x32xf32>
    %reduce_sum3A = arith.constant dense<0.000000e+00> : vector<256xf32>
    %reduce_sum3A_5 = vector.multi_reduction <add>, %mul3A, %reduce_sum3A [1] : vector<256x32xf32> to vector<256xf32>
    %broadcast_in_dim3A = vector.shape_cast %reduce_sum3A_5 : vector<256xf32> to vector<256x1xf32>
    %get3A_6 = arith.constant 0 : index
    %get3A_7 = arith.constant 0 : index
    %get3A_8 = vector.load %arg5[%get3A_6, %get3A_7] : memref<1x8192xf32, #tpu.memory_space<vmem>>, vector<1x8192xf32>
    %dot_general3A = arith.constant dense<0.000000e+00> : vector<256x8192xf32>
    %dot_general3A_9 = tpu.matmul %get3A_1, %get3A_4, %dot_general3A {dimension_numbers = #tpu.dot_dimension_numbers<[1], [1], [0], [0], [0, 0, 1, 0], [], []>, transpose_lhs_hint = false} : vector<256x32xf32>, vector<8192x32xf32>, vector<256x8192xf32> -> vector<256x8192xf32>
    %add3A = vector.broadcast %broadcast_in_dim3A : vector<256x1xf32> to vector<256x8192xf32>
    %add3A_10 = vector.broadcast %get3A_8 : vector<1x8192xf32> to vector<256x8192xf32>
    %add3A_11 = arith.addf %add3A, %add3A_10 : vector<256x8192xf32>
    %mul3A_12 = arith.constant 2.000000e+00 : f32
    %mul3A_13 = vector.broadcast %mul3A_12 : f32 to vector<256x8192xf32>
    %mul3A_14 = arith.mulf %mul3A_13, %dot_general3A_9 : vector<256x8192xf32>
    %sub3A = arith.subf %add3A_11, %mul3A_14 : vector<256x8192xf32>
    %argmin3A = tpu.reduce_index %sub3A {axis = 1 : i32, kind = #tpu.reduction_kind<arg_min>} : vector<256x8192xf32> -> vector<256xi32>
    %iota3A = tpu.iota {dimensions = array<i32: 1>} : vector<256x8192xi32>
    %broadcast_in_dim3A_15 = vector.shape_cast %argmin3A : vector<256xi32> to vector<256x1xi32>
    %eq3A = vector.broadcast %broadcast_in_dim3A_15 : vector<256x1xi32> to vector<256x8192xi32>
    %eq3A_16 = arith.cmpi eq, %iota3A, %eq3A : vector<256x8192xi32>
    %convert_element_type3A = arith.extui %eq3A_16 : vector<256x8192xi1> to vector<256x8192xi32>
    %convert_element_type3A_17 = arith.sitofp %convert_element_type3A : vector<256x8192xi32> to vector<256x8192xf32>
    %swap3A = arith.constant 0 : index
    %swap3A_18 = arith.constant 0 : index
    %swap3A_19 = vector.load %arg7[%swap3A, %swap3A_18] : memref<256x8192xf32, #tpu.memory_space<vmem>>, vector<256x8192xf32>
    tpu.vector_store %arg7[%swap3A, %swap3A_18], %convert_element_type3A_17 {strides = array<i32>} : memref<256x8192xf32, #tpu.memory_space<vmem>>, vector<256x8192xf32>,
    %broadcast_in_dim3A_20 = vector.shape_cast %argmin3A : vector<256xi32> to vector<256x1xi32>
    %swap3A_21 = arith.constant 0 : index
    %swap3A_22 = arith.constant 0 : index
    %swap3A_23 = vector.load %arg8[%swap3A_21, %swap3A_22] : memref<256x1xi32, #tpu.memory_space<vmem>>, vector<256x1xi32>
    tpu.vector_store %arg8[%swap3A_21, %swap3A_22], %broadcast_in_dim3A_20 {strides = array<i32>} : memref<256x1xi32, #tpu.memory_space<vmem>>, vector<256x1xi32>,
    %get3A_24 = arith.constant 0 : index
    %get3A_25 = arith.constant 0 : index
    %get3A_26 = vector.load %arg2[%get3A_24, %get3A_25] : memref<256x32xf32, #tpu.memory_space<vmem>>, vector<256x32xf32>
    %get3A_27 = arith.constant 0 : index
    %get3A_28 = arith.constant 0 : index
    %get3A_29 = vector.load %arg4[%get3A_27, %get3A_28] : memref<8192x32xf32, #tpu.memory_space<vmem>>, vector<8192x32xf32>
    %mul3A_30 = arith.mulf %get3A_26, %get3A_26 : vector<256x32xf32>
    %reduce_sum3A_31 = arith.constant dense<0.000000e+00> : vector<256xf32>
    %reduce_sum3A_32 = vector.multi_reduction <add>, %mul3A_30, %reduce_sum3A_31 [1] : vector<256x32xf32> to vector<256xf32>
    %broadcast_in_dim3A_33 = vector.shape_cast %reduce_sum3A_32 : vector<256xf32> to vector<256x1xf32>
    %get3A_34 = arith.constant 0 : index
    %get3A_35 = arith.constant 0 : index
    %get3A_36 = vector.load %arg6[%get3A_34, %get3A_35] : memref<1x8192xf32, #tpu.memory_space<vmem>>, vector<1x8192xf32>
    %dot_general3A_37 = arith.constant dense<0.000000e+00> : vector<256x8192xf32>
    %dot_general3A_38 = tpu.matmul %get3A_26, %get3A_29, %dot_general3A_37 {dimension_numbers = #tpu.dot_dimension_numbers<[1], [1], [0], [0], [0, 0, 1, 0], [], []>, transpose_lhs_hint = false} : vector<256x32xf32>, vector<8192x32xf32>, vector<256x8192xf32> -> vector<256x8192xf32>
    %add3A_39 = vector.broadcast %broadcast_in_dim3A_33 : vector<256x1xf32> to vector<256x8192xf32>
    %add3A_40 = vector.broadcast %get3A_36 : vector<1x8192xf32> to vector<256x8192xf32>
    %add3A_41 = arith.addf %add3A_39, %add3A_40 : vector<256x8192xf32>
    %mul3A_42 = arith.constant 2.000000e+00 : f32
    %mul3A_43 = vector.broadcast %mul3A_42 : f32 to vector<256x8192xf32>
    %mul3A_44 = arith.mulf %mul3A_43, %dot_general3A_38 : vector<256x8192xf32>
    %sub3A_45 = arith.subf %add3A_41, %mul3A_44 : vector<256x8192xf32>
    %argmin3A_46 = tpu.reduce_index %sub3A_45 {axis = 1 : i32, kind = #tpu.reduction_kind<arg_min>} : vector<256x8192xf32> -> vector<256xi32>
    %iota3A_47 = tpu.iota {dimensions = array<i32: 1>} : vector<256x8192xi32>
    %broadcast_in_dim3A_48 = vector.shape_cast %argmin3A_46 : vector<256xi32> to vector<256x1xi32>
    %eq3A_49 = vector.broadcast %broadcast_in_dim3A_48 : vector<256x1xi32> to vector<256x8192xi32>
    %eq3A_50 = arith.cmpi eq, %iota3A_47, %eq3A_49 : vector<256x8192xi32>
    %convert_element_type3A_51 = arith.extui %eq3A_50 : vector<256x8192xi1> to vector<256x8192xi32>
    %convert_element_type3A_52 = arith.sitofp %convert_element_type3A_51 : vector<256x8192xi32> to vector<256x8192xf32>
    %swap3A_53 = arith.constant 0 : index
    %swap3A_54 = arith.constant 0 : index
    %swap3A_55 = vector.load %arg9[%swap3A_53, %swap3A_54] : memref<256x8192xf32, #tpu.memory_space<vmem>>, vector<256x8192xf32>
    tpu.vector_store %arg9[%swap3A_53, %swap3A_54], %convert_element_type3A_52 {strides = array<i32>} : memref<256x8192xf32, #tpu.memory_space<vmem>>, vector<256x8192xf32>,
    %broadcast_in_dim3A_56 = vector.shape_cast %argmin3A_46 : vector<256xi32> to vector<256x1xi32>
    %swap3A_57 = arith.constant 0 : index
    %swap3A_58 = arith.constant 0 : index
    %swap3A_59 = vector.load %arg10[%swap3A_57, %swap3A_58] : memref<256x1xi32, #tpu.memory_space<vmem>>, vector<256x1xi32>
    tpu.vector_store %arg10[%swap3A_57, %swap3A_58], %broadcast_in_dim3A_56 {strides = array<i32>} : memref<256x1xi32, #tpu.memory_space<vmem>>, vector<256x1xi32>,
    return
  }
  func.func @transform_0(%arg0: i32) -> (i32, i32) {
    %c0_i32 = arith.constant 0 : i32
    %c0_i32_0 = arith.constant 0 : i32
    return %arg0, %c0_i32 : i32, i32
  }
  func.func @transform_1(%arg0: i32) -> (i32, i32) {
    %c0_i32 = arith.constant 0 : i32
    %c0_i32_0 = arith.constant 0 : i32
    return %arg0, %c0_i32 : i32, i32
  }
  func.func @transform_2(%arg0: i32) -> (i32, i32) {
    %c0_i32 = arith.constant 0 : i32
    %c0_i32_0 = arith.constant 0 : i32
    %c0_i32_1 = arith.constant 0 : i32
    return %c0_i32, %c0_i32_0 : i32, i32
  }
  func.func @transform_3(%arg0: i32) -> (i32, i32) {
    %c0_i32 = arith.constant 0 : i32
    %c0_i32_0 = arith.constant 0 : i32
    %c0_i32_1 = arith.constant 0 : i32
    return %c0_i32, %c0_i32_0 : i32, i32
  }
  func.func @transform_4(%arg0: i32) -> (i32, i32) {
    %c0_i32 = arith.constant 0 : i32
    %c0_i32_0 = arith.constant 0 : i32
    %c0_i32_1 = arith.constant 0 : i32
    return %c0_i32, %c0_i32_0 : i32, i32
  }
  func.func @transform_5(%arg0: i32) -> (i32, i32) {
    %c0_i32 = arith.constant 0 : i32
    %c0_i32_0 = arith.constant 0 : i32
    %c0_i32_1 = arith.constant 0 : i32
    return %c0_i32, %c0_i32_0 : i32, i32
  }
  func.func @transform_6(%arg0: i32) -> (i32, i32) {
    %c0_i32 = arith.constant 0 : i32
    %c0_i32_0 = arith.constant 0 : i32
    return %arg0, %c0_i32 : i32, i32
  }
  func.func @transform_7(%arg0: i32) -> (i32, i32) {
    %c0_i32 = arith.constant 0 : i32
    %c0_i32_0 = arith.constant 0 : i32
    return %arg0, %c0_i32 : i32, i32
  }
  func.func @transform_8(%arg0: i32) -> (i32, i32) {
    %c0_i32 = arith.constant 0 : i32
    %c0_i32_0 = arith.constant 0 : i32
    return %arg0, %c0_i32 : i32, i32
  }
  func.func @transform_9(%arg0: i32) -> (i32, i32) {
    %c0_i32 = arith.constant 0 : i32
    %c0_i32_0 = arith.constant 0 : i32
    return %arg0, %c0_i32 : i32, i32
  }
}

module attributes {stable_mosaic.version = 14 : i64} {
  func.func @_loss_body(%arg0: memref<4096x32xf32, #tpu.memory_space<vmem>>, %arg1: memref<4096x32xf32, #tpu.memory_space<vmem>>, %arg2: memref<4096x32xf32, #tpu.memory_space<vmem>>, %arg3: memref<4096x32xf32, #tpu.memory_space<vmem>>, %arg4: memref<1x1xf32, #tpu.memory_space<vmem>>, %arg5: memref<1x1xf32, #tpu.memory_space<vmem>>) attributes {dimension_semantics = [], scalar_prefetch = 0 : i64, scratch_operands = 0 : i64, tpu.core_type = #tpu.core_type<tc>} {
    %get3A = arith.constant 0 : index
    %get3A_0 = arith.constant 0 : index
    %get3A_1 = vector.load %arg0[%get3A, %get3A_0] : memref<4096x32xf32, #tpu.memory_space<vmem>>, vector<4096x32xf32>
    %get3A_2 = arith.constant 0 : index
    %get3A_3 = arith.constant 0 : index
    %get3A_4 = vector.load %arg1[%get3A_2, %get3A_3] : memref<4096x32xf32, #tpu.memory_space<vmem>>, vector<4096x32xf32>
    %sub3A = arith.subf %get3A_1, %get3A_4 : vector<4096x32xf32>
    %mul3A = arith.mulf %sub3A, %sub3A : vector<4096x32xf32>
    %reduce_sum3A = vector.shape_cast %mul3A : vector<4096x32xf32> to vector<1x4096x32xf32>
    %reduce_sum3A_5 = arith.constant dense<0.000000e+00> : vector<1xf32>
    %reduce_sum3A_6 = vector.multi_reduction <add>, %reduce_sum3A, %reduce_sum3A_5 [1, 2] : vector<1x4096x32xf32> to vector<1xf32>
    %reduce_sum3A_7 = vector.shape_cast %reduce_sum3A_6 : vector<1xf32> to vector<1x1x1xf32>
    %reduce_sum3A_8 = vector.extract %reduce_sum3A_7[0, 0, 0] : f32 from vector<1x1x1xf32>
    %reshape3A = vector.broadcast %reduce_sum3A_8 : f32 to vector<1x1xf32>
    %swap3A = arith.constant 0 : index
    %swap3A_9 = arith.constant 0 : index
    %swap3A_10 = vector.load %arg4[%swap3A, %swap3A_9] : memref<1x1xf32, #tpu.memory_space<vmem>>, vector<1x1xf32>
    tpu.vector_store %arg4[%swap3A, %swap3A_9], %reshape3A {strides = array<i32>} : memref<1x1xf32, #tpu.memory_space<vmem>>, vector<1x1xf32>,
    %get3A_11 = arith.constant 0 : index
    %get3A_12 = arith.constant 0 : index
    %get3A_13 = vector.load %arg2[%get3A_11, %get3A_12] : memref<4096x32xf32, #tpu.memory_space<vmem>>, vector<4096x32xf32>
    %get3A_14 = arith.constant 0 : index
    %get3A_15 = arith.constant 0 : index
    %get3A_16 = vector.load %arg3[%get3A_14, %get3A_15] : memref<4096x32xf32, #tpu.memory_space<vmem>>, vector<4096x32xf32>
    %sub3A_17 = arith.subf %get3A_13, %get3A_16 : vector<4096x32xf32>
    %mul3A_18 = arith.mulf %sub3A_17, %sub3A_17 : vector<4096x32xf32>
    %reduce_sum3A_19 = vector.shape_cast %mul3A_18 : vector<4096x32xf32> to vector<1x4096x32xf32>
    %reduce_sum3A_20 = arith.constant dense<0.000000e+00> : vector<1xf32>
    %reduce_sum3A_21 = vector.multi_reduction <add>, %reduce_sum3A_19, %reduce_sum3A_20 [1, 2] : vector<1x4096x32xf32> to vector<1xf32>
    %reduce_sum3A_22 = vector.shape_cast %reduce_sum3A_21 : vector<1xf32> to vector<1x1x1xf32>
    %reduce_sum3A_23 = vector.extract %reduce_sum3A_22[0, 0, 0] : f32 from vector<1x1x1xf32>
    %reshape3A_24 = vector.broadcast %reduce_sum3A_23 : f32 to vector<1x1xf32>
    %swap3A_25 = arith.constant 0 : index
    %swap3A_26 = arith.constant 0 : index
    %swap3A_27 = vector.load %arg5[%swap3A_25, %swap3A_26] : memref<1x1xf32, #tpu.memory_space<vmem>>, vector<1x1xf32>
    tpu.vector_store %arg5[%swap3A_25, %swap3A_26], %reshape3A_24 {strides = array<i32>} : memref<1x1xf32, #tpu.memory_space<vmem>>, vector<1x1xf32>,
    return
  }
}

</mosaic_0001>

<sc_bundles>
// kernel: kernel.6.cloned.1.call-start
scs
__scs_entry_jumppad:
0x0: {  	(pc) =	sbr.rel $0x88, $3  }
0x1: {  	(tag) =	ssettag $0x0;
	lr =	simm.s32 $0x1  }
0x2: {  	[smem:$0x3F9D] =	sst lr;
	_ =	strace $0xD0000000  }
0x3: {  	_ = 	snop  }
0x4: {  	_ = 	snop  }
0x5: {  	_ = 	snop  }
0x6: {  	_ = 	snop  }
0x7: {  	_ = 	snop  }
__scs_overlays_trampoline_lowered:
0x8: {  	[smem:$0x3FAC] =	sst s0  }
0x9: {  	[smem:$0x3FAD] =	sst s1  }
0xa: {  	[smem:$0x3FAE] =	sst s2  }
0xb: {  	[smem:$0x3FAF] =	sst s3  }
0xc: {  	[smem:$0x3FB0] =	sst s4  }
0xd: {  	[smem:$0x3FB1] =	sst s5  }
0xe: {  	[smem:$0x3FB2] =	sst s6  }
0xf: {  	[smem:$0x3FB3] =	sst s7  }
0x10: {  	[smem:$0x3FB4] =	sst s8  }
0x11: {  	[smem:$0x3FB5] =	sst s9;
	s0 =	simm.s32 @!p0 $0x0  }
0x12: {  	s1 =	sld [smem:$0x3F9B];
	s0 =	simm.s32 @p0 $0x1  }
0x13: {  	[smem:$0x3FB6] =	sst s0;
	s0 =	simm.s32 @!p1 $0x0  }
0x14: {  	s2 =	sld [smem:$0x3F9A];
	s0 =	simm.s32 @p1 $0x1  }
0x15: {  	[smem:$0x3FB7] =	sst s0;
	s0 =	simm.s32 @!p2 $0x0  }
0x16: {  	s3 =	sld [smem:$0x3FDB];
	s0 =	simm.s32 @p2 $0x1  }
0x17: {  	s4 =	simm.s32 $0x1BF5;
	[smem:$0x3FB9] =	sst s0  }
0x18: {  	s0 =	sld [smem:$0x3F9C];
	_ =	swait.ge [sflag:s4], $0x0  }
0x19: {  	s7 =	sld [smem:$0x3F9D]  }
0x1a: {  	s8 =	sadd.s32 $0xFFFFE003, lr  }
0x1b: {  	s9 =	sadd.s32 $0xFFFFFEF7, lr;
	s5 =	simm.s32 $0xFFFFFFFF;
	p2 =	slt.u32 s8, $0xFFFFF086  }
0x1c: {  	p1 =	slt.u32 s9, $0xF7A;
	s5 =	simm.s32 @!p2 $0x0  }
0x1d: {  	s5 =	simm.s32 @p1 $0x1;
	p0 =	seq.s32 s7, s2  }
0x1e: {  	s7 =	smul.u32 @!p0 $0xF7A, s2;
	p2 =	seq.s32 @!p0 s5, $0x0  }
0x1f: {  	s9 =	smul.u32 $0xF7A, s1;
	s8 =	simm.s32 @!p0 $0x1BF5;
	p2 =	por !p2, p0  }
0x20: {  	[sflag:s8] =	ssyncset.s32 @!p0 $0xFFFFF086;
	s6 =	sadd.s32 @!p0 s3, s7;
	s7 =	simm.s32 @!p0 $0x108  }
0x21: {  	s3 =	sadd.s32 s3, s9;
	s6 =	sadd.s32 @!p0 $0x88, s6;
	s7 =	simm.s32 @p2 $0x1082  }
0x22: {  	[simem:s7], [sflag:s8] =	dma.local @!p0 [hbm:s6], $0xF7A  }
0x23: {  	s9 =	sor.u32 $0xD0000000, s2;
	s6 =	simm.s32 $0x108;
	_ =	swait.ge @!p0 [sflag:s8], $0x0  }
0x24: {  	s3 =	sadd.s32 $0x88, s3;
	s6 =	simm.s32 @!p1 $0x1082;
	[sflag:s4] =	ssyncset.s32 $0xFFFFF086  }
0x25: {  	[simem:s6], [sflag:s4] =	dma.local [hbm:s3], $0xF7A  }
0x26: {  	[smem:$0x3F9D] =	sst s1;
	(tag) =	ssettag s2;
	_ =	strace s9  }
0x27: {  	s1 =	sld [smem:$0x3FAD]  }
0x28: {  	s2 =	sld [smem:$0x3FAE]  }
0x29: {  	s4 =	sld [smem:$0x3FB0]  }
0x2a: {  	p0 =	seq.s32 s5, $0x0;
	s5 =	sld [smem:$0x3FB1]  }
0x2b: {  	s6 =	sld [smem:$0x3FB2]  }
0x2c: {  	s7 =	sld [smem:$0x3FB3]  }
0x2d: {  	s3 =	simm.s32 $0x108;
	s8 =	sld [smem:$0x3FB4]  }
0x2e: {  	s3 =	simm.s32 @!p0 $0x1082;
	s9 =	sld [smem:$0x3FB5]  }
0x2f: {  	lr =	sadd.s32 s0, s3;
	s0 =	sld [smem:$0x3FAC]  }
0x30: {  	s3 =	sld [smem:$0x3FAF]  }
0x31: {  	[smem:$0x3FB8] =	sst s10  }
0x32: {  	s10 =	sld [smem:$0x3FB6];
	_ =	sdelay $0x3  }
0x33: {  	p0 =	seq.s32 s10, $0x1;
	s10 =	sld [smem:$0x3FB8];
	_ =	sdelay $0x3  }
0x34: {  	[smem:$0x3FB8] =	sst s10  }
0x35: {  	s10 =	sld [smem:$0x3FB7];
	_ =	sdelay $0x3  }
0x36: {  	p1 =	seq.s32 s10, $0x1;
	s10 =	sld [smem:$0x3FB8];
	_ =	sdelay $0x3  }
0x37: {  	[smem:$0x3FB8] =	sst s10  }
0x38: {  	s10 =	sld [smem:$0x3FB9]  }
0x39: {  	_ = 	snop;
	(pc) =	sbr.ind lr, $3  }
0x3a: {  	_ = 	snop  }
0x3b: {  	_ = 	snop  }
0x3c: {  	p2 =	seq.s32 s10, $0x1;
	s10 =	sld [smem:$0x3FB8]  }
0x3d: {  	_ =	shalt  }
0x3e: {  	_ =	shalt  }
0x3f: {  	_ =	shalt  }
0x40: {  	_ =	shalt  }
0x41: {  	_ =	shalt  }
0x42: {  	_ =	shalt  }
0x43: {  	_ =	shalt  }
0x44: {  	_ =	shalt  }
0x45: {  	_ =	shalt  }
0x46: {  	_ =	shalt  }
0x47: {  	_ =	shalt  }
0x48: {  	_ =	shalt  }
0x49: {  	_ =	shalt  }
0x4a: {  	_ =	shalt  }
0x4b: {  	_ =	shalt  }
0x4c: {  	_ =	shalt  }
0x4d: {  	_ =	shalt  }
0x4e: {  	_ =	shalt  }
0x4f: {  	_ =	shalt  }
0x50: {  	_ =	shalt  }
0x51: {  	_ =	shalt  }
0x52: {  	_ =	shalt  }
0x53: {  	_ =	shalt  }
0x54: {  	_ =	shalt  }
0x55: {  	_ =	shalt  }
0x56: {  	_ =	shalt  }
0x57: {  	_ =	shalt  }
0x58: {  	_ =	shalt  }
0x59: {  	_ =	shalt  }
0x5a: {  	_ =	shalt  }
0x5b: {  	_ =	shalt  }
0x5c: {  	_ =	shalt  }
0x5d: {  	_ =	shalt  }
0x5e: {  	_ =	shalt  }
0x5f: {  	_ =	shalt  }
0x60: {  	_ =	shalt  }
0x61: {  	_ =	shalt  }
0x62: {  	_ =	shalt  }
0x63: {  	_ =	shalt  }
0x64: {  	_ =	shalt  }
0x65: {  	_ =	shalt  }
0x66: {  	_ =	shalt  }
0x67: {  	_ =	shalt  }
0x68: {  	_ =	shalt  }
0x69: {  	_ =	shalt  }
0x6a: {  	_ =	shalt  }
0x6b: {  	_ =	shalt  }
0x6c: {  	_ =	shalt  }
0x6d: {  	_ =	shalt  }
0x6e: {  	_ =	shalt  }
0x6f: {  	_ =	shalt  }
0x70: {  	_ =	shalt  }
0x71: {  	_ =	shalt  }
0x72: {  	_ =	shalt  }
0x73: {  	_ =	shalt  }
0x74: {  	_ =	shalt  }
0x75: {  	_ =	shalt  }
0x76: {  	_ =	shalt  }
0x77: {  	_ =	shalt  }
0x78: {  	_ =	shalt  }
0x79: {  	_ =	shalt  }
0x7a: {  	_ =	shalt  }
0x7b: {  	_ =	shalt  }
0x7c: {  	_ =	shalt  }
0x7d: {  	_ =	shalt  }
0x7e: {  	_ =	shalt  }
0x7f: {  	_ =	shalt  }
0x80: {  	_ =	shalt  }
0x81: {  	_ =	shalt  }
0x82: {  	_ =	shalt  }
0x83: {  	_ =	shalt  }
0x84: {  	_ =	shalt  }
0x85: {  	_ =	shalt  }
0x86: {  	_ =	shalt  }
0x87: {  	_ =	shalt  }
.Lfunc_end0:
.L_simem_size_0:
called_computation_lowered:
.L_overlay_start_0:
0x88: {  	s2 =	sld [smem:$0x3FD9]  }
0x89: {  	s3 =	sld [smem:$0x3FFE];
	_ =	sdelay $0x1  }
0x8a: {  	s1 =	srdreg.scid  }
0x8b: {  	s0 =	sand.u32 $0x1, s1  }
0x8c: {  	s14 =	sshll.u32 s0, $0xA;
	s2 =	sadd.s32 s3, s2  }
0x8d: {  	s2 =	sadd.s32 s2, s14  }
0x8e: {  	[smem:$0x3FC4] =	sst s2  }
0x8f: {  	_ = 	snop  }
0x90: {  	s2 =	sld [smem:$0x3FD0];
	_ =	sdelay $0x2  }
0x91: {  	s15 =	simm.s32 $0xA;
	s4 =	simm.s32 $0x10  }
0x92: {  	[smem:s4], [sflag:s15] =	dma.local [hbm:s2], $0x1  }
0x93: {  	_ =	swait.eq [sflag:s15], $0x1  }
0x94: {  	[sflag:s15] =	ssyncset.done $0x0  }
0x95: {  	[sflag:s15] =	ssyncadd.s32 $0xFFFFFFFF  }
0x96: {  	s2 =	sadd.s32 $0x1, s2;
	s5 =	sld [smem:$0x14]  }
0x97: {  	[smem:s4], [sflag:s15] =	dma.local [hbm:s2], $0x1  }
0x98: {  	_ =	swait.eq [sflag:s15], $0x1  }
0x99: {  	[sflag:s15] =	ssyncset.done $0x0  }
0x9a: {  	[sflag:s15] =	ssyncadd.s32 $0xFFFFFFFF  }
0x9b: {  	s16 =	sld [smem:$0x11];
	(tm) =	ssettm $0x1  }
0x9c: {  	s17 =	sld [smem:$0x3FFB];
	_ =	sdelay $0x3  }
0x9d: {  	_ =	strace s17  }
0x9e: {  	s3 =	sld [smem:$0x3FFC];
	_ =	sdelay $0x3  }
0x9f: {  	_ =	strace s3  }
0xa0: {  	s3 =	sld [smem:$0x3FFD];
	_ =	sdelay $0x3  }
0xa1: {  	_ =	strace s3  }
0xa2: {  	_ =	strace $0x8FFFFFFF  }
0xa3: {  	s18 =	sld [smem:$0x3FDB];
	_ =	sdelay $0x1  }
0xa4: {  	s19 =	simm.s32 $_scs_section_size  }
0xa5: {  	s6 =	simm.s32 $_size__tile_overlayer_lowered;
	s7 =	simm.s32 $_tile_overlayer_lowered  }
0xa6: {  	s22 =	simm.s32 $0x1BFF;
	s21 =	sshll.u32 s7, $0x1;
	s3 =	sadd.s32 s19, s18  }
0xa7: {  	s8 =	simm.s32 $0x0;
	s20 =	sshll.u32 s6, $0x1;
	s6 =	sadd.s32 s21, s3  }
0xa8: {  	[timem:s8], [sflag:s22] =	dma.local [hbm:s6], s20  }
0xa9: {  	_ =	swait.ge [sflag:s22], s20  }
0xaa: {  	s4 =	ssub.s32 $0x0, s20;
	[sflag:s22] =	ssyncset.done $0x0  }
0xab: {  	[sflag:s22] =	ssyncadd.s32 s4;
	_ =	sdelay $0x1  }
0xac: {  	s23 =	simm.s32 $0x1B8B  }
0xad: {  	_ =	swait.ge [sflag:s23], $0x1  }
0xae: {  	[sflag:s23] =	ssyncset.done $0x0  }
0xaf: {  	s25 =	simm.s32 $0x1B8E;
	s24 =	sld [smem:$0x3FFE];
	[sflag:s23] =	ssyncadd.s32 $0xFFFFFFFF  }
0xb0: {  	s26 =	simm.s32 $execute0_lowered;
	[smem:$0x3FD2] =	sst s25  }
0xb1: {  	s6 =	sshll.u32 s26, $0x1;
	_ =	strace $0x80000046;
	[dreg:$0x1] =	wrdreg $0xFFFFFFFF  }
0xb2: {  	s28 =	simm.s32 $_size_execute0_lowered;
	s3 =	sadd.s32 s3, s6;
	[dreg:$0x0] =	wrdreg $0x0  }
0xb3: {  	s6 =	sshll.u32 s28, $0x1;
	[dreg:$0x2] =	wrdreg s3  }
0xb4: {  	[dreg:$0x3] =	wrdreg s6  }
0xb5: {  	[dreg:$0x4] =	wrdreg $0xC0  }
0xb6: {  	_ =	task [dreg:s8], $0x5FFFF  }
0xb7: {  	[dreg:$0x1] =	wrdreg $0xFFFFFFFF  }
0xb8: {  	[dreg:$0x0] =	wrdreg $0x60  }
0xb9: {  	[dreg:$0x2] =	wrdreg s24  }
0xba: {  	[dreg:$0x3] =	wrdreg s5  }
0xbb: {  	[dreg:$0x4] =	wrdreg s16  }
0xbc: {  	[dreg:$0x5] =	wrdreg $0x9  }
0xbd: {  	_ =	task.clear_ibuf [dreg:s8], $0x6FFFF;
	_ =	strace $0x90000046  }
0xbe: {  	s29 =	simm.s32 $0x9;
	_ =	strace $0x80000048  }
0xbf: {  	_ =	swait.ge [sflag:s29], $0x1  }
0xc0: {  	[sflag:s29] =	ssyncadd.s32 $0xFFFFFFFF  }
0xc1: {  	_ =	strace $0x90000048  }
0xc2: {  	_ =	sfence  }
0xc3: {  	s30 =	sld [smem:$0x0];
	_ =	sdelay $0x2  }
0xc4: {  	s31 =	sshll.u32 s1, $0xD;
	s1 =	sshrl.u32 s1, $0x2  }
0xc5: {  	s3 =	sand.u32 $0x4000, s31;
	s1 =	sadd.s32 s1, s30  }
0xc6: {  	s0 =	sor.u32 s3, s0;
	s1 =	sshll.u32 s1, $0x11  }
0xc7: {  	s0 =	sor.u32 s1, s0  }
0xc8: {  	s0 =	sadd.s32 $0x8F2B, s0  }
0xc9: {  	[sflag:s0] =	ssyncadd.remote.s32 $0x1  }
0xca: {  	_ =	sfence.sel $0xFFFF  }
0xcb: {  	[dreg:$0x0] =	wrdreg $0xFFFFFFFF;
	(pc) =	sbr.abs _section_cstart, $3  }
0xcc: {  	[dreg:$0x1] =	wrdreg $0xFFFFFFFF  }
0xcd: {  	_ =	task.clear_ibuf [dreg:s8], $0x2FFFF;
	_ =	strace $0x9FFFFFFF  }
0xce: {  	(tm) =	ssettm $0x7FFFFFFF  }
0xcf: {  	_ =	shalt  }
tec
execute0_lowered:
.L_overlay_start_1:
0x0: {  	(tag) =	ssettag $0x1  }
0x1: {  	s12 =	rddreg [dreg:$0x0];
	s1 =	srdreg.scid  }
0x2: {  	s3 =	rddreg [dreg:$0x1];
	s0 =	stileid.u32;
	s13 =	sand.u32 $0x1, s1  }
0x3: {  	s7 =	rddreg [dreg:$0x2];
	s4 =	sshll.u32 s0, $0x8;
	s5 =	sshll.u32 s13, $0x7  }
0x4: {  	s2 =	simm.s32 $0x0;
	s1 =	rddreg [dreg:$0x3];
	s14 =	sor.u32 s5, s4  }
0x5: {  	[smem:$0x7FF] =	sst s2;
	s8 =	sshrl.u32 s14, $0x3  }
0x6: {  	_ =	strace $0x80000047;
	s4 =	sadd.s32 s3, s8;
	s3 =	simm.s32 $0x3  }
0x7: {  	[tilespmem:s2], [sflag:$0x3] =	stream.linear.gather [hbm4b:s4+s2], $0x80, $0x38;
	[tilespmem:$0x8100] =	vst v63  }
0x8: {  	_ =	swait.ge [sflag:s3], $0x80  }
0x9: {  	[sflag:s3] =	ssyncset.done $0x0  }
0xa: {  	s6 =	simm.s32 $0x80;
	s5 =	sadd.s32 $0x41E00, s12;
	[sflag:s3] =	ssyncadd.s32 $0xFFFFFF80  }
0xb: {  	[tilespmem:s6], [sflag:$0x1] =	stream.indirect.gather [hbm4b:s5+s6], $0x80, s2, s6, $0xb8;
	[tilespmem:$0x8100] =	vst v63  }
0xc: {  	s7 =	sadd.s32 s7, s8;
	s8 =	simm.s32 $0x4080  }
0xd: {  	[tilespmem:s8], [sflag:$0x3] =	stream.linear.gather [hbm4b:s7+s2], $0x80, $0x38;
	[tilespmem:$0x8100] =	vst v63  }
0xe: {  	_ =	swait.ge [sflag:s3], $0x80  }
0xf: {  	s10 =	simm.s32 $0x4100;
	[sflag:s3] =	ssyncset.done $0x0  }
0x10: {  	s11 =	simm.s32 $0x1;
	s9 =	sadd.s32 $0x61E00, s12;
	[sflag:s3] =	ssyncadd.s32 $0xFFFFFF80  }
0x11: {  	[tilespmem:s10], [sflag:$0x2] =	stream.indirect.gather [hbm4b:s9+s6], $0x80, s8, s6, $0xb8;
	[tilespmem:$0x8100] =	vst v63  }
0x12: {  	s14 =	sshll.u32 s14, $0x4;
	_ =	swait.ge [sflag:s11], $0x4000  }
0x13: {  	s14 =	sadd.s32 s14, s12;
	[sflag:s11] =	ssyncset.done $0x0  }
0x14: {  	s15 =	ssub.s32 $0x2, s13;
	s12 =	sadd.s32 $0x11E00, s14;
	[sflag:s11] =	ssyncadd.s32 $0xFFFFC000  }
0x15: {  	[hbm4b:s12+s2] =	stream.linear.scatter [tilespmem:s6], [sflag:$0x3], $0x4000, $0x38;
	[tilespmem:$0x8100] =	vst v63  }
0x16: {  	s16 =	sshrl.u32 s15, $0x1;
	_ =	swait.ge [sflag:s3], $0x4000  }
0x17: {  	s15 =	ssub.s32 s15, s16;
	[sflag:s3] =	ssyncset.done $0x0  }
0x18: {  	s13 =	simm.s32 $0x2;
	s15 =	smax.u32 s15, $0x1;
	[sflag:s3] =	ssyncadd.s32 $0xFFFFC000  }
0x19: {  	p0 =	sne.s32 s15, $0x1;
	_ =	swait.ge [sflag:s13], $0x4000  }
.Ltmp0:
0x1a: {  	[sflag:s13] =	ssyncset.done $0x0;
	(pc) =	sbr.rel @!p0 .LBB2_2-.Ltmp0, $4  }
0x1b: {  	s14 =	sadd.s32 $0x1E00, s14;
	[sflag:s13] =	ssyncadd.s32 $0xFFFFC000  }
0x1c: {  	[hbm4b:s14+s2] =	stream.linear.scatter [tilespmem:s10], [sflag:$0x3], $0x4000, $0x38;
	[tilespmem:$0x8100] =	vst v63  }
0x1d: {  	_ =	swait.ge [sflag:s3], $0x4000  }
0x1e: {  	s15 =	sadd.s32 $0xFFFFFFFF, s15;
	[sflag:s3] =	ssyncset.done $0x0  }
.LBB2_1:
0x1f: {  	p0 =	sne.s32 s15, $0x1;
	s15 =	sadd.s32 $0xFFFFFFFF, s15;
	[sflag:s3] =	ssyncadd.s32 $0xFFFFC000  }
0x20: {  	[tilespmem:s2], [sflag:$0x3] =	stream.linear.gather [hbm4b:s4+s2], $0x80, $0x38;
	[tilespmem:$0x8100] =	vst v63  }
0x21: {  	_ =	swait.ge [sflag:s3], $0x80  }
0x22: {  	[sflag:s3] =	ssyncset.done $0x0  }
0x23: {  	[sflag:s3] =	ssyncadd.s32 $0xFFFFFF80  }
0x24: {  	[tilespmem:s6], [sflag:$0x1] =	stream.indirect.gather [hbm4b:s5+s6], $0x80, s2, s6, $0xb8;
	[tilespmem:$0x8100] =	vst v63  }
0x25: {  	_ = 	snop  }
0x26: {  	[tilespmem:s8], [sflag:$0x3] =	stream.linear.gather [hbm4b:s7+s2], $0x80, $0x38;
	[tilespmem:$0x8100] =	vst v63  }
0x27: {  	_ =	swait.ge [sflag:s3], $0x80  }
0x28: {  	[sflag:s3] =	ssyncset.done $0x0  }
0x29: {  	[sflag:s3] =	ssyncadd.s32 $0xFFFFFF80  }
0x2a: {  	[tilespmem:s10], [sflag:$0x2] =	stream.indirect.gather [hbm4b:s9+s6], $0x80, s8, s6, $0xb8;
	[tilespmem:$0x8100] =	vst v63  }
0x2b: {  	_ =	swait.ge [sflag:s11], $0x4000  }
0x2c: {  	[sflag:s11] =	ssyncset.done $0x0  }
0x2d: {  	[sflag:s11] =	ssyncadd.s32 $0xFFFFC000  }
0x2e: {  	[hbm4b:s12+s2] =	stream.linear.scatter [tilespmem:s6], [sflag:$0x3], $0x4000, $0x38;
	[tilespmem:$0x8100] =	vst v63  }
0x2f: {  	_ =	swait.ge [sflag:s3], $0x4000  }
0x30: {  	[sflag:s3] =	ssyncset.done $0x0  }
0x31: {  	[sflag:s3] =	ssyncadd.s32 $0xFFFFC000  }
0x32: {  	_ =	swait.ge [sflag:s13], $0x4000  }
.Ltmp1:
0x33: {  	[sflag:s13] =	ssyncset.done $0x0;
	(pc) =	sbr.rel @p0 .LBB2_1-.Ltmp1, $4  }
0x34: {  	[sflag:s13] =	ssyncadd.s32 $0xFFFFC000  }
0x35: {  	[hbm4b:s14+s2] =	stream.linear.scatter [tilespmem:s10], [sflag:$0x3], $0x4000, $0x38;
	[tilespmem:$0x8100] =	vst v63  }
0x36: {  	_ =	swait.ge [sflag:s3], $0x4000  }
0x37: {  	[sflag:s3] =	ssyncset.done $0x0  }
.LBB2_2:
0x38: {  	[sflag:s3] =	ssyncadd.s32 $0xFFFFC000  }
0x39: {  	_ =	sfence.sel $0x180000  }
0x3a: {  	[bflag:$0x0] =	sbarrier.arrive $0xFFFF  }
0x3b: {  	p0 =	sne.s32 s0, $0x0;
	_ =	strace $0x90000047  }
0x3c: {  	s0 =	sadd.s32 @!p0 $0x100000, s1;
	[bflag:$0x2] =	sbarrier.arrive $0xFFFF  }
0x3d: {  	[sflag:s0] =	ssyncadd.tile.s32 @!p0 $0x1;
	_ =	shalt  }
.Lfunc_end2:
_tile_overlayer_lowered:
.L_overlay_start_2:
0x3e: {  	(tag) =	ssettag $0x2  }
0x3f: {  	s0 =	rddreg [dreg:$0x0];
	s2 =	stileid.u32  }
0x40: {  	s1 =	rddreg [dreg:$0x1];
	p0 =	sne.s32 s2, $0x0  }
0x41: {  	s3 =	rddreg [dreg:$0x2];
	[bflag:$0x3] =	sbarrier.arrive $0xFFFF;
	s2 =	simm.s32 @!p0 $0x1C03  }
0x42: {  	[timem:s3], [sflag:s2] =	dma.local @!p0 [hbm:s0], s1  }
0x43: {  	s0 =	simm.s32 @!p0 $0x3  }
0x44: {  	_ =	swait.ge @!p0 [sflag:s0], s1  }
0x45: {  	s1 =	ssub.s32 @!p0 $0x0, s1;
	[sflag:s0] =	ssyncset.done @!p0 $0x0  }
0x46: {  	[sflag:s0] =	ssyncadd.s32 @!p0 s1  }
0x47: {  	[bflag:$0x3] =	sbarrier.arrive $0xFFFF  }
0x48: {  	_ =	shalt  }

</sc_bundles>
